<compile_context>
chip_gen: v7x
topology: tpu7x:2x2x1
jax: 0.10.2.dev20260603
libtpu: 0.0.44.dev20260713+nightly
codegen_flags: <defaults>
</compile_context>

<pallas_src>
import jax
import jax.numpy as jnp
from jax import lax
from jax.experimental import pallas as pl
from jax.experimental.pallas import tpu as pltpu
from jax.experimental.pallas import tpu_sc as plsc

B, S, D = 16, 4096, 1024
L = 16
CHUNKS = S // L
UNROLL = 8


def _last_token_body(x_hbm, mask_hbm, out_hbm, mask_v, row_v, sem0, sem1):
    wid = lax.axis_index("s")

    H = S // 2
    cp0 = pltpu.async_copy(mask_hbm.at[wid, pl.ds(0, H)],
                           mask_v.at[pl.ds(0, H)], sem0)
    cp1 = pltpu.async_copy(mask_hbm.at[wid, pl.ds(H, H)],
                           mask_v.at[pl.ds(H, H)], sem1)

    HCHUNKS = CHUNKS // 2
    init = tuple(jnp.zeros((L,), jnp.int32) for _ in range(UNROLL))

    cp0.wait()

    @plsc.parallel_loop(0, HCHUNKS // UNROLL, carry=init)
    def accs0(i, a):
        return tuple(
            a[j] + mask_v[pl.ds((i * UNROLL + j) * L, L)]
            for j in range(UNROLL)
        )

    cp1.wait()

    @plsc.parallel_loop(0, HCHUNKS // UNROLL, carry=accs0)
    def accs(i, a):
        return tuple(
            a[j] + mask_v[pl.ds(H + (i * UNROLL + j) * L, L)]
            for j in range(UNROLL)
        )

    acc = accs[0]
    for j in range(1, UNROLL):
        acc = acc + accs[j]
    total = acc[0]
    for lane in range(1, L):
        total = total + acc[lane]
    idx = wid * S + total - 1

    pltpu.sync_copy(x_hbm.at[pl.ds(idx, 1)], row_v)
    pltpu.sync_copy(row_v, out_hbm.at[pl.ds(wid, 1)])


def kernel(x, mask):
    x_flat = x.reshape(B * S, D)
    mask_i = mask.astype(jnp.int32)
    mesh = plsc.VectorSubcoreMesh(
        core_axis_name="c", subcore_axis_name="s", num_cores=1
    )
    fn = pl.kernel(
        _last_token_body,
        mesh=mesh,
        out_type=jax.ShapeDtypeStruct((B, D), jnp.float32),
        scratch_types=[
            pltpu.VMEM((S,), jnp.int32),
            pltpu.VMEM((1, D), jnp.float32),
            pltpu.SemaphoreType.DMA,
            pltpu.SemaphoreType.DMA,
        ],
    )
    return fn(x_flat, mask_i)

# --- scband reference (transcript-rebuilt; emitter-appended) ---
"""Pipeline reference for scband-last-output-head-42769284334163 (READ-ONLY COPY).

The authoritative reference and input builder live on the scoring server;
editing this copy changes nothing except your own understanding.
"""

import jax, jax.numpy as jnp
import numpy as np


def setup_inputs(seed: int = 0) -> dict:
    key = jax.random.key(seed)
    k1, _ = jax.random.split(key)
    x = jax.random.normal(k1, (16, 4096, 1024), dtype=jnp.float32)
    mask = jnp.ones((16, 4096), dtype=jnp.int64)
    return {"x": x, "mask": mask}


def reference(x, mask):
    batch_size = mask.shape[0]
    trx_index = mask.sum(axis=1) - 1
    output = x[jnp.arange(batch_size), trx_index]
    return output

if __name__ == "__main__":
    import jax
    _d = setup_inputs()
    print(jax.jit(kernel)(*tuple(_d.values())))

</pallas_src>

<mosaic_0001>
#map = affine_map<(d0, d1) -> (0, 0)>
module attributes {stable_mosaic.version = 14 : i64} {
  func.func @_last_token_body(%arg0: i32, %arg1: i32, %arg2: memref<65536x1024xf32, #tpu.memory_space<hbm>>, %arg3: memref<16x4096xi32, #tpu.memory_space<hbm>>, %arg4: memref<16x1024xf32, #tpu.memory_space<hbm>>, %arg5: memref<4096xi32, #tpu.memory_space<vmem>>, %arg6: memref<1x1024xf32, #tpu.memory_space<vmem>>, %arg7: memref<!tpu.dma_semaphore, #tpu.memory_space<semaphore_mem>>, %arg8: memref<!tpu.dma_semaphore, #tpu.memory_space<semaphore_mem>>) attributes {dimension_semantics = [#tpu.dimension_semantics<core_parallel>, #tpu.dimension_semantics<subcore_parallel>], iteration_bounds = array<i64: 1, 16>, scalar_prefetch = 0 : i64, scratch_operands = 4 : i64, tpu.core_type = #tpu.core_type<sc_vector_subcore>, window_params = [{transform_indices = #map}, {transform_indices = #map}, {transform_indices = #map}]} {
    %dma_start3A = arith.constant 0 : i32
    %dma_start3A_0 = tpu.memref_slice %arg5[%dma_start3A] : memref<4096xi32, #tpu.memory_space<vmem>> -> memref<2048xi32, #tpu.memory_space<vmem>>
    %dma_start3A_1 = arith.constant 0 : i32
    %dma_start3A_2 = tpu.memref_slice %arg3[%arg1, %dma_start3A_1] : memref<16x4096xi32, #tpu.memory_space<hbm>> -> memref<1x2048xi32, #tpu.memory_space<hbm>>
    %dma_start3A_3 = tpu.memref_squeeze %dma_start3A_2 : memref<1x2048xi32, #tpu.memory_space<hbm>> -> memref<2048xi32, #tpu.memory_space<hbm>>
    %dma_start3A_4 = arith.constant 0 : i32
    %dma_start3A_5 = tpu.memref_slice %arg5[%dma_start3A_4] : memref<4096xi32, #tpu.memory_space<vmem>> -> memref<2048xi32, #tpu.memory_space<vmem>>
    %dma_start3A_6 = arith.constant 0 : i32
    %dma_start3A_7 = tpu.memref_slice %arg3[%arg1, %dma_start3A_6] : memref<16x4096xi32, #tpu.memory_space<hbm>> -> memref<1x2048xi32, #tpu.memory_space<hbm>>
    %dma_start3A_8 = tpu.memref_squeeze %dma_start3A_7 : memref<1x2048xi32, #tpu.memory_space<hbm>> -> memref<2048xi32, #tpu.memory_space<hbm>>
    tpu.enqueue_dma source(%dma_start3A_8 : memref<2048xi32, #tpu.memory_space<hbm>>) target(%dma_start3A_5 : memref<2048xi32, #tpu.memory_space<vmem>>) target_semaphore(%arg7 : memref<!tpu.dma_semaphore, #tpu.memory_space<semaphore_mem>>)
    %dma_start3A_9 = arith.constant 2048 : i32
    %dma_start3A_10 = tpu.memref_slice %arg5[%dma_start3A_9] : memref<4096xi32, #tpu.memory_space<vmem>> -> memref<2048xi32, #tpu.memory_space<vmem>>
    %dma_start3A_11 = arith.constant 2048 : i32
    %dma_start3A_12 = tpu.memref_slice %arg3[%arg1, %dma_start3A_11] : memref<16x4096xi32, #tpu.memory_space<hbm>> -> memref<1x2048xi32, #tpu.memory_space<hbm>>
    %dma_start3A_13 = tpu.memref_squeeze %dma_start3A_12 : memref<1x2048xi32, #tpu.memory_space<hbm>> -> memref<2048xi32, #tpu.memory_space<hbm>>
    %dma_start3A_14 = arith.constant 2048 : i32
    %dma_start3A_15 = tpu.memref_slice %arg5[%dma_start3A_14] : memref<4096xi32, #tpu.memory_space<vmem>> -> memref<2048xi32, #tpu.memory_space<vmem>>
    %dma_start3A_16 = arith.constant 2048 : i32
    %dma_start3A_17 = tpu.memref_slice %arg3[%arg1, %dma_start3A_16] : memref<16x4096xi32, #tpu.memory_space<hbm>> -> memref<1x2048xi32, #tpu.memory_space<hbm>>
    %dma_start3A_18 = tpu.memref_squeeze %dma_start3A_17 : memref<1x2048xi32, #tpu.memory_space<hbm>> -> memref<2048xi32, #tpu.memory_space<hbm>>
    tpu.enqueue_dma source(%dma_start3A_18 : memref<2048xi32, #tpu.memory_space<hbm>>) target(%dma_start3A_15 : memref<2048xi32, #tpu.memory_space<vmem>>) target_semaphore(%arg8 : memref<!tpu.dma_semaphore, #tpu.memory_space<semaphore_mem>>)
    %broadcast_in_dim3A = arith.constant 0 : i32
    %broadcast_in_dim3A_19 = vector.broadcast %broadcast_in_dim3A : i32 to vector<16xi32>
    %broadcast_in_dim3A_20 = arith.constant 0 : i32
    %broadcast_in_dim3A_21 = vector.broadcast %broadcast_in_dim3A_20 : i32 to vector<16xi32>
    %broadcast_in_dim3A_22 = arith.constant 0 : i32
    %broadcast_in_dim3A_23 = vector.broadcast %broadcast_in_dim3A_22 : i32 to vector<16xi32>
    %broadcast_in_dim3A_24 = arith.constant 0 : i32
    %broadcast_in_dim3A_25 = vector.broadcast %broadcast_in_dim3A_24 : i32 to vector<16xi32>
    %broadcast_in_dim3A_26 = arith.constant 0 : i32
    %broadcast_in_dim3A_27 = vector.broadcast %broadcast_in_dim3A_26 : i32 to vector<16xi32>
    %broadcast_in_dim3A_28 = arith.constant 0 : i32
    %broadcast_in_dim3A_29 = vector.broadcast %broadcast_in_dim3A_28 : i32 to vector<16xi32>
    %broadcast_in_dim3A_30 = arith.constant 0 : i32
    %broadcast_in_dim3A_31 = vector.broadcast %broadcast_in_dim3A_30 : i32 to vector<16xi32>
    %broadcast_in_dim3A_32 = arith.constant 0 : i32
    %broadcast_in_dim3A_33 = vector.broadcast %broadcast_in_dim3A_32 : i32 to vector<16xi32>
    %dma_wait3A = arith.constant 0 : i32
    %dma_wait3A_34 = tpu.memref_slice %arg5[%dma_wait3A] : memref<4096xi32, #tpu.memory_space<vmem>> -> memref<2048xi32, #tpu.memory_space<vmem>>
    %dma_wait3A_35 = arith.constant 0 : i32
    %dma_wait3A_36 = tpu.memref_slice %arg3[%arg1, %dma_wait3A_35] : memref<16x4096xi32, #tpu.memory_space<hbm>> -> memref<1x2048xi32, #tpu.memory_space<hbm>>
    %dma_wait3A_37 = tpu.memref_squeeze %dma_wait3A_36 : memref<1x2048xi32, #tpu.memory_space<hbm>> -> memref<2048xi32, #tpu.memory_space<hbm>>
    %dma_wait3A_38 = arith.constant 0 : i32
    %dma_wait3A_39 = tpu.memref_slice %arg5[%dma_wait3A_38] : memref<4096xi32, #tpu.memory_space<vmem>> -> memref<2048xi32, #tpu.memory_space<vmem>>
    %dma_wait3A_40 = arith.constant 0 : i32
    %dma_wait3A_41 = tpu.memref_slice %arg3[%arg1, %dma_wait3A_40] : memref<16x4096xi32, #tpu.memory_space<hbm>> -> memref<1x2048xi32, #tpu.memory_space<hbm>>
    %dma_wait3A_42 = tpu.memref_squeeze %dma_wait3A_41 : memref<1x2048xi32, #tpu.memory_space<hbm>> -> memref<2048xi32, #tpu.memory_space<hbm>>
    tpu.wait_dma2 semaphore(%arg7 : memref<!tpu.dma_semaphore, #tpu.memory_space<semaphore_mem>>) src(%dma_wait3A_42 : memref<2048xi32, #tpu.memory_space<hbm>>) dst(%dma_wait3A_39 : memref<2048xi32, #tpu.memory_space<vmem>>)
    %parallel_loop3A = arith.constant 0 : i32
    %parallel_loop3A_43 = arith.constant 16 : i32
    %parallel_loop3A_44 = arith.constant 1 : i32
    %parallel_loop3A_45:8 = scf.for %parallel_loop3A_114 = %parallel_loop3A to %parallel_loop3A_43 step %parallel_loop3A_44 iter_args(%parallel_loop3A_115 = %broadcast_in_dim3A_19, %parallel_loop3A_116 = %broadcast_in_dim3A_21, %parallel_loop3A_117 = %broadcast_in_dim3A_23, %parallel_loop3A_118 = %broadcast_in_dim3A_25, %parallel_loop3A_119 = %broadcast_in_dim3A_27, %parallel_loop3A_120 = %broadcast_in_dim3A_29, %parallel_loop3A_121 = %broadcast_in_dim3A_31, %parallel_loop3A_122 = %broadcast_in_dim3A_33) -> (vector<16xi32>, vector<16xi32>, vector<16xi32>, vector<16xi32>, vector<16xi32>, vector<16xi32>, vector<16xi32>, vector<16xi32>)  : i32 {
      %parallel_loop3A_123 = arith.constant 8 : i32
      %parallel_loop3A_124 = arith.muli %parallel_loop3A_114, %parallel_loop3A_123 : i32
      %parallel_loop3A_125 = arith.constant 0 : i32
      %parallel_loop3A_126 = arith.addi %parallel_loop3A_124, %parallel_loop3A_125 : i32
      %parallel_loop3A_127 = arith.constant 16 : i32
      %parallel_loop3A_128 = arith.muli %parallel_loop3A_126, %parallel_loop3A_127 : i32
      %parallel_loop3A_129 = arith.index_cast %parallel_loop3A_128 : i32 to index
      %parallel_loop3A_130 = tpu.vector_load %arg5[%parallel_loop3A_129] {strides = array<i32>} : memref<4096xi32, #tpu.memory_space<vmem>>, vector<16xi32>,
      %parallel_loop3A_131 = vector.shape_cast %parallel_loop3A_130 : vector<16xi32> to vector<16xi32>
      %parallel_loop3A_132 = arith.addi %parallel_loop3A_115, %parallel_loop3A_131 : vector<16xi32>
      %parallel_loop3A_133 = arith.constant 8 : i32
      %parallel_loop3A_134 = arith.muli %parallel_loop3A_114, %parallel_loop3A_133 : i32
      %parallel_loop3A_135 = arith.constant 1 : i32
      %parallel_loop3A_136 = arith.addi %parallel_loop3A_134, %parallel_loop3A_135 : i32
      %parallel_loop3A_137 = arith.constant 16 : i32
      %parallel_loop3A_138 = arith.muli %parallel_loop3A_136, %parallel_loop3A_137 : i32
      %parallel_loop3A_139 = arith.index_cast %parallel_loop3A_138 : i32 to index
      %parallel_loop3A_140 = tpu.vector_load %arg5[%parallel_loop3A_139] {strides = array<i32>} : memref<4096xi32, #tpu.memory_space<vmem>>, vector<16xi32>,
      %parallel_loop3A_141 = vector.shape_cast %parallel_loop3A_140 : vector<16xi32> to vector<16xi32>
      %parallel_loop3A_142 = arith.addi %parallel_loop3A_116, %parallel_loop3A_141 : vector<16xi32>
      %parallel_loop3A_143 = arith.constant 8 : i32
      %parallel_loop3A_144 = arith.muli %parallel_loop3A_114, %parallel_loop3A_143 : i32
      %parallel_loop3A_145 = arith.constant 2 : i32
      %parallel_loop3A_146 = arith.addi %parallel_loop3A_144, %parallel_loop3A_145 : i32
      %parallel_loop3A_147 = arith.constant 16 : i32
      %parallel_loop3A_148 = arith.muli %parallel_loop3A_146, %parallel_loop3A_147 : i32
      %parallel_loop3A_149 = arith.index_cast %parallel_loop3A_148 : i32 to index
      %parallel_loop3A_150 = tpu.vector_load %arg5[%parallel_loop3A_149] {strides = array<i32>} : memref<4096xi32, #tpu.memory_space<vmem>>, vector<16xi32>,
      %parallel_loop3A_151 = vector.shape_cast %parallel_loop3A_150 : vector<16xi32> to vector<16xi32>
      %parallel_loop3A_152 = arith.addi %parallel_loop3A_117, %parallel_loop3A_151 : vector<16xi32>
      %parallel_loop3A_153 = arith.constant 8 : i32
      %parallel_loop3A_154 = arith.muli %parallel_loop3A_114, %parallel_loop3A_153 : i32
      %parallel_loop3A_155 = arith.constant 3 : i32
      %parallel_loop3A_156 = arith.addi %parallel_loop3A_154, %parallel_loop3A_155 : i32
      %parallel_loop3A_157 = arith.constant 16 : i32
      %parallel_loop3A_158 = arith.muli %parallel_loop3A_156, %parallel_loop3A_157 : i32
      %parallel_loop3A_159 = arith.index_cast %parallel_loop3A_158 : i32 to index
      %parallel_loop3A_160 = tpu.vector_load %arg5[%parallel_loop3A_159] {strides = array<i32>} : memref<4096xi32, #tpu.memory_space<vmem>>, vector<16xi32>,
      %parallel_loop3A_161 = vector.shape_cast %parallel_loop3A_160 : vector<16xi32> to vector<16xi32>
      %parallel_loop3A_162 = arith.addi %parallel_loop3A_118, %parallel_loop3A_161 : vector<16xi32>
      %parallel_loop3A_163 = arith.constant 8 : i32
      %parallel_loop3A_164 = arith.muli %parallel_loop3A_114, %parallel_loop3A_163 : i32
      %parallel_loop3A_165 = arith.constant 4 : i32
      %parallel_loop3A_166 = arith.addi %parallel_loop3A_164, %parallel_loop3A_165 : i32
      %parallel_loop3A_167 = arith.constant 16 : i32
      %parallel_loop3A_168 = arith.muli %parallel_loop3A_166, %parallel_loop3A_167 : i32
      %parallel_loop3A_169 = arith.index_cast %parallel_loop3A_168 : i32 to index
      %parallel_loop3A_170 = tpu.vector_load %arg5[%parallel_loop3A_169] {strides = array<i32>} : memref<4096xi32, #tpu.memory_space<vmem>>, vector<16xi32>,
      %parallel_loop3A_171 = vector.shape_cast %parallel_loop3A_170 : vector<16xi32> to vector<16xi32>
      %parallel_loop3A_172 = arith.addi %parallel_loop3A_119, %parallel_loop3A_171 : vector<16xi32>
      %parallel_loop3A_173 = arith.constant 8 : i32
      %parallel_loop3A_174 = arith.muli %parallel_loop3A_114, %parallel_loop3A_173 : i32
      %parallel_loop3A_175 = arith.constant 5 : i32
      %parallel_loop3A_176 = arith.addi %parallel_loop3A_174, %parallel_loop3A_175 : i32
      %parallel_loop3A_177 = arith.constant 16 : i32
      %parallel_loop3A_178 = arith.muli %parallel_loop3A_176, %parallel_loop3A_177 : i32
      %parallel_loop3A_179 = arith.index_cast %parallel_loop3A_178 : i32 to index
      %parallel_loop3A_180 = tpu.vector_load %arg5[%parallel_loop3A_179] {strides = array<i32>} : memref<4096xi32, #tpu.memory_space<vmem>>, vector<16xi32>,
      %parallel_loop3A_181 = vector.shape_cast %parallel_loop3A_180 : vector<16xi32> to vector<16xi32>
      %parallel_loop3A_182 = arith.addi %parallel_loop3A_120, %parallel_loop3A_181 : vector<16xi32>
      %parallel_loop3A_183 = arith.constant 8 : i32
      %parallel_loop3A_184 = arith.muli %parallel_loop3A_114, %parallel_loop3A_183 : i32
      %parallel_loop3A_185 = arith.constant 6 : i32
      %parallel_loop3A_186 = arith.addi %parallel_loop3A_184, %parallel_loop3A_185 : i32
      %parallel_loop3A_187 = arith.constant 16 : i32
      %parallel_loop3A_188 = arith.muli %parallel_loop3A_186, %parallel_loop3A_187 : i32
      %parallel_loop3A_189 = arith.index_cast %parallel_loop3A_188 : i32 to index
      %parallel_loop3A_190 = tpu.vector_load %arg5[%parallel_loop3A_189] {strides = array<i32>} : memref<4096xi32, #tpu.memory_space<vmem>>, vector<16xi32>,
      %parallel_loop3A_191 = vector.shape_cast %parallel_loop3A_190 : vector<16xi32> to vector<16xi32>
      %parallel_loop3A_192 = arith.addi %parallel_loop3A_121, %parallel_loop3A_191 : vector<16xi32>
      %parallel_loop3A_193 = arith.constant 8 : i32
      %parallel_loop3A_194 = arith.muli %parallel_loop3A_114, %parallel_loop3A_193 : i32
      %parallel_loop3A_195 = arith.constant 7 : i32
      %parallel_loop3A_196 = arith.addi %parallel_loop3A_194, %parallel_loop3A_195 : i32
      %parallel_loop3A_197 = arith.constant 16 : i32
      %parallel_loop3A_198 = arith.muli %parallel_loop3A_196, %parallel_loop3A_197 : i32
      %parallel_loop3A_199 = arith.index_cast %parallel_loop3A_198 : i32 to index
      %parallel_loop3A_200 = tpu.vector_load %arg5[%parallel_loop3A_199] {strides = array<i32>} : memref<4096xi32, #tpu.memory_space<vmem>>, vector<16xi32>,
      %parallel_loop3A_201 = vector.shape_cast %parallel_loop3A_200 : vector<16xi32> to vector<16xi32>
      %parallel_loop3A_202 = arith.addi %parallel_loop3A_122, %parallel_loop3A_201 : vector<16xi32>
      scf.yield %parallel_loop3A_132, %parallel_loop3A_142, %parallel_loop3A_152, %parallel_loop3A_162, %parallel_loop3A_172, %parallel_loop3A_182, %parallel_loop3A_192, %parallel_loop3A_202 : vector<16xi32>, vector<16xi32>, vector<16xi32>, vector<16xi32>, vector<16xi32>, vector<16xi32>, vector<16xi32>, vector<16xi32>
    } {sc.loop_unroll_factor = 1 : i64, sc.parallel_access}
    %dma_wait3A_46 = arith.constant 2048 : i32
    %dma_wait3A_47 = tpu.memref_slice %arg5[%dma_wait3A_46] : memref<4096xi32, #tpu.memory_space<vmem>> -> memref<2048xi32, #tpu.memory_space<vmem>>
    %dma_wait3A_48 = arith.constant 2048 : i32
    %dma_wait3A_49 = tpu.memref_slice %arg3[%arg1, %dma_wait3A_48] : memref<16x4096xi32, #tpu.memory_space<hbm>> -> memref<1x2048xi32, #tpu.memory_space<hbm>>
    %dma_wait3A_50 = tpu.memref_squeeze %dma_wait3A_49 : memref<1x2048xi32, #tpu.memory_space<hbm>> -> memref<2048xi32, #tpu.memory_space<hbm>>
    %dma_wait3A_51 = arith.constant 2048 : i32
    %dma_wait3A_52 = tpu.memref_slice %arg5[%dma_wait3A_51] : memref<4096xi32, #tpu.memory_space<vmem>> -> memref<2048xi32, #tpu.memory_space<vmem>>
    %dma_wait3A_53 = arith.constant 2048 : i32
    %dma_wait3A_54 = tpu.memref_slice %arg3[%arg1, %dma_wait3A_53] : memref<16x4096xi32, #tpu.memory_space<hbm>> -> memref<1x2048xi32, #tpu.memory_space<hbm>>
    %dma_wait3A_55 = tpu.memref_squeeze %dma_wait3A_54 : memref<1x2048xi32, #tpu.memory_space<hbm>> -> memref<2048xi32, #tpu.memory_space<hbm>>
    tpu.wait_dma2 semaphore(%arg8 : memref<!tpu.dma_semaphore, #tpu.memory_space<semaphore_mem>>) src(%dma_wait3A_55 : memref<2048xi32, #tpu.memory_space<hbm>>) dst(%dma_wait3A_52 : memref<2048xi32, #tpu.memory_space<vmem>>)
    %parallel_loop3A_56 = arith.constant 0 : i32
    %parallel_loop3A_57 = arith.constant 16 : i32
    %parallel_loop3A_58 = arith.constant 1 : i32
    %parallel_loop3A_59:8 = scf.for %parallel_loop3A_114 = %parallel_loop3A_56 to %parallel_loop3A_57 step %parallel_loop3A_58 iter_args(%parallel_loop3A_115 = %parallel_loop3A_45#0, %parallel_loop3A_116 = %parallel_loop3A_45#1, %parallel_loop3A_117 = %parallel_loop3A_45#2, %parallel_loop3A_118 = %parallel_loop3A_45#3, %parallel_loop3A_119 = %parallel_loop3A_45#4, %parallel_loop3A_120 = %parallel_loop3A_45#5, %parallel_loop3A_121 = %parallel_loop3A_45#6, %parallel_loop3A_122 = %parallel_loop3A_45#7) -> (vector<16xi32>, vector<16xi32>, vector<16xi32>, vector<16xi32>, vector<16xi32>, vector<16xi32>, vector<16xi32>, vector<16xi32>)  : i32 {
      %parallel_loop3A_123 = arith.constant 8 : i32
      %parallel_loop3A_124 = arith.muli %parallel_loop3A_114, %parallel_loop3A_123 : i32
      %parallel_loop3A_125 = arith.constant 0 : i32
      %parallel_loop3A_126 = arith.addi %parallel_loop3A_124, %parallel_loop3A_125 : i32
      %parallel_loop3A_127 = arith.constant 16 : i32
      %parallel_loop3A_128 = arith.muli %parallel_loop3A_126, %parallel_loop3A_127 : i32
      %parallel_loop3A_129 = arith.constant 2048 : i32
      %parallel_loop3A_130 = arith.addi %parallel_loop3A_129, %parallel_loop3A_128 : i32
      %parallel_loop3A_131 = arith.index_cast %parallel_loop3A_130 : i32 to index
      %parallel_loop3A_132 = tpu.vector_load %arg5[%parallel_loop3A_131] {strides = array<i32>} : memref<4096xi32, #tpu.memory_space<vmem>>, vector<16xi32>,
      %parallel_loop3A_133 = vector.shape_cast %parallel_loop3A_132 : vector<16xi32> to vector<16xi32>
      %parallel_loop3A_134 = arith.addi %parallel_loop3A_115, %parallel_loop3A_133 : vector<16xi32>
      %parallel_loop3A_135 = arith.constant 8 : i32
      %parallel_loop3A_136 = arith.muli %parallel_loop3A_114, %parallel_loop3A_135 : i32
      %parallel_loop3A_137 = arith.constant 1 : i32
      %parallel_loop3A_138 = arith.addi %parallel_loop3A_136, %parallel_loop3A_137 : i32
      %parallel_loop3A_139 = arith.constant 16 : i32
      %parallel_loop3A_140 = arith.muli %parallel_loop3A_138, %parallel_loop3A_139 : i32
      %parallel_loop3A_141 = arith.constant 2048 : i32
      %parallel_loop3A_142 = arith.addi %parallel_loop3A_141, %parallel_loop3A_140 : i32
      %parallel_loop3A_143 = arith.index_cast %parallel_loop3A_142 : i32 to index
      %parallel_loop3A_144 = tpu.vector_load %arg5[%parallel_loop3A_143] {strides = array<i32>} : memref<4096xi32, #tpu.memory_space<vmem>>, vector<16xi32>,
      %parallel_loop3A_145 = vector.shape_cast %parallel_loop3A_144 : vector<16xi32> to vector<16xi32>
      %parallel_loop3A_146 = arith.addi %parallel_loop3A_116, %parallel_loop3A_145 : vector<16xi32>
      %parallel_loop3A_147 = arith.constant 8 : i32
      %parallel_loop3A_148 = arith.muli %parallel_loop3A_114, %parallel_loop3A_147 : i32
      %parallel_loop3A_149 = arith.constant 2 : i32
      %parallel_loop3A_150 = arith.addi %parallel_loop3A_148, %parallel_loop3A_149 : i32
      %parallel_loop3A_151 = arith.constant 16 : i32
      %parallel_loop3A_152 = arith.muli %parallel_loop3A_150, %parallel_loop3A_151 : i32
      %parallel_loop3A_153 = arith.constant 2048 : i32
      %parallel_loop3A_154 = arith.addi %parallel_loop3A_153, %parallel_loop3A_152 : i32
      %parallel_loop3A_155 = arith.index_cast %parallel_loop3A_154 : i32 to index
      %parallel_loop3A_156 = tpu.vector_load %arg5[%parallel_loop3A_155] {strides = array<i32>} : memref<4096xi32, #tpu.memory_space<vmem>>, vector<16xi32>,
      %parallel_loop3A_157 = vector.shape_cast %parallel_loop3A_156 : vector<16xi32> to vector<16xi32>
      %parallel_loop3A_158 = arith.addi %parallel_loop3A_117, %parallel_loop3A_157 : vector<16xi32>
      %parallel_loop3A_159 = arith.constant 8 : i32
      %parallel_loop3A_160 = arith.muli %parallel_loop3A_114, %parallel_loop3A_159 : i32
      %parallel_loop3A_161 = arith.constant 3 : i32
      %parallel_loop3A_162 = arith.addi %parallel_loop3A_160, %parallel_loop3A_161 : i32
      %parallel_loop3A_163 = arith.constant 16 : i32
      %parallel_loop3A_164 = arith.muli %parallel_loop3A_162, %parallel_loop3A_163 : i32
      %parallel_loop3A_165 = arith.constant 2048 : i32
      %parallel_loop3A_166 = arith.addi %parallel_loop3A_165, %parallel_loop3A_164 : i32
      %parallel_loop3A_167 = arith.index_cast %parallel_loop3A_166 : i32 to index
      %parallel_loop3A_168 = tpu.vector_load %arg5[%parallel_loop3A_167] {strides = array<i32>} : memref<4096xi32, #tpu.memory_space<vmem>>, vector<16xi32>,
      %parallel_loop3A_169 = vector.shape_cast %parallel_loop3A_168 : vector<16xi32> to vector<16xi32>
      %parallel_loop3A_170 = arith.addi %parallel_loop3A_118, %parallel_loop3A_169 : vector<16xi32>
      %parallel_loop3A_171 = arith.constant 8 : i32
      %parallel_loop3A_172 = arith.muli %parallel_loop3A_114, %parallel_loop3A_171 : i32
      %parallel_loop3A_173 = arith.constant 4 : i32
      %parallel_loop3A_174 = arith.addi %parallel_loop3A_172, %parallel_loop3A_173 : i32
      %parallel_loop3A_175 = arith.constant 16 : i32
      %parallel_loop3A_176 = arith.muli %parallel_loop3A_174, %parallel_loop3A_175 : i32
      %parallel_loop3A_177 = arith.constant 2048 : i32
      %parallel_loop3A_178 = arith.addi %parallel_loop3A_177, %parallel_loop3A_176 : i32
      %parallel_loop3A_179 = arith.index_cast %parallel_loop3A_178 : i32 to index
      %parallel_loop3A_180 = tpu.vector_load %arg5[%parallel_loop3A_179] {strides = array<i32>} : memref<4096xi32, #tpu.memory_space<vmem>>, vector<16xi32>,
      %parallel_loop3A_181 = vector.shape_cast %parallel_loop3A_180 : vector<16xi32> to vector<16xi32>
      %parallel_loop3A_182 = arith.addi %parallel_loop3A_119, %parallel_loop3A_181 : vector<16xi32>
      %parallel_loop3A_183 = arith.constant 8 : i32
      %parallel_loop3A_184 = arith.muli %parallel_loop3A_114, %parallel_loop3A_183 : i32
      %parallel_loop3A_185 = arith.constant 5 : i32
      %parallel_loop3A_186 = arith.addi %parallel_loop3A_184, %parallel_loop3A_185 : i32
      %parallel_loop3A_187 = arith.constant 16 : i32
      %parallel_loop3A_188 = arith.muli %parallel_loop3A_186, %parallel_loop3A_187 : i32
      %parallel_loop3A_189 = arith.constant 2048 : i32
      %parallel_loop3A_190 = arith.addi %parallel_loop3A_189, %parallel_loop3A_188 : i32
      %parallel_loop3A_191 = arith.index_cast %parallel_loop3A_190 : i32 to index
      %parallel_loop3A_192 = tpu.vector_load %arg5[%parallel_loop3A_191] {strides = array<i32>} : memref<4096xi32, #tpu.memory_space<vmem>>, vector<16xi32>,
      %parallel_loop3A_193 = vector.shape_cast %parallel_loop3A_192 : vector<16xi32> to vector<16xi32>
      %parallel_loop3A_194 = arith.addi %parallel_loop3A_120, %parallel_loop3A_193 : vector<16xi32>
      %parallel_loop3A_195 = arith.constant 8 : i32
      %parallel_loop3A_196 = arith.muli %parallel_loop3A_114, %parallel_loop3A_195 : i32
      %parallel_loop3A_197 = arith.constant 6 : i32
      %parallel_loop3A_198 = arith.addi %parallel_loop3A_196, %parallel_loop3A_197 : i32
      %parallel_loop3A_199 = arith.constant 16 : i32
      %parallel_loop3A_200 = arith.muli %parallel_loop3A_198, %parallel_loop3A_199 : i32
      %parallel_loop3A_201 = arith.constant 2048 : i32
      %parallel_loop3A_202 = arith.addi %parallel_loop3A_201, %parallel_loop3A_200 : i32
      %parallel_loop3A_203 = arith.index_cast %parallel_loop3A_202 : i32 to index
      %parallel_loop3A_204 = tpu.vector_load %arg5[%parallel_loop3A_203] {strides = array<i32>} : memref<4096xi32, #tpu.memory_space<vmem>>, vector<16xi32>,
      %parallel_loop3A_205 = vector.shape_cast %parallel_loop3A_204 : vector<16xi32> to vector<16xi32>
      %parallel_loop3A_206 = arith.addi %parallel_loop3A_121, %parallel_loop3A_205 : vector<16xi32>
      %parallel_loop3A_207 = arith.constant 8 : i32
      %parallel_loop3A_208 = arith.muli %parallel_loop3A_114, %parallel_loop3A_207 : i32
      %parallel_loop3A_209 = arith.constant 7 : i32
      %parallel_loop3A_210 = arith.addi %parallel_loop3A_208, %parallel_loop3A_209 : i32
      %parallel_loop3A_211 = arith.constant 16 : i32
      %parallel_loop3A_212 = arith.muli %parallel_loop3A_210, %parallel_loop3A_211 : i32
      %parallel_loop3A_213 = arith.constant 2048 : i32
      %parallel_loop3A_214 = arith.addi %parallel_loop3A_213, %parallel_loop3A_212 : i32
      %parallel_loop3A_215 = arith.index_cast %parallel_loop3A_214 : i32 to index
      %parallel_loop3A_216 = tpu.vector_load %arg5[%parallel_loop3A_215] {strides = array<i32>} : memref<4096xi32, #tpu.memory_space<vmem>>, vector<16xi32>,
      %parallel_loop3A_217 = vector.shape_cast %parallel_loop3A_216 : vector<16xi32> to vector<16xi32>
      %parallel_loop3A_218 = arith.addi %parallel_loop3A_122, %parallel_loop3A_217 : vector<16xi32>
      scf.yield %parallel_loop3A_134, %parallel_loop3A_146, %parallel_loop3A_158, %parallel_loop3A_170, %parallel_loop3A_182, %parallel_loop3A_194, %parallel_loop3A_206, %parallel_loop3A_218 : vector<16xi32>, vector<16xi32>, vector<16xi32>, vector<16xi32>, vector<16xi32>, vector<16xi32>, vector<16xi32>, vector<16xi32>
    } {sc.loop_unroll_factor = 1 : i64, sc.parallel_access}
    %add3A = arith.addi %parallel_loop3A_59#0, %parallel_loop3A_59#1 : vector<16xi32>
    %add3A_60 = arith.addi %add3A, %parallel_loop3A_59#2 : vector<16xi32>
    %add3A_61 = arith.addi %add3A_60, %parallel_loop3A_59#3 : vector<16xi32>
    %add3A_62 = arith.addi %add3A_61, %parallel_loop3A_59#4 : vector<16xi32>
    %add3A_63 = arith.addi %add3A_62, %parallel_loop3A_59#5 : vector<16xi32>
    %add3A_64 = arith.addi %add3A_63, %parallel_loop3A_59#6 : vector<16xi32>
    %add3A_65 = arith.addi %add3A_64, %parallel_loop3A_59#7 : vector<16xi32>
    %slice3A = vector.extract_strided_slice %add3A_65 {offsets = [0], sizes = [1], strides = [1]} : vector<16xi32> to vector<1xi32>
    %squeeze3A = vector.extract %slice3A[0] : i32 from vector<1xi32>
    %slice3A_66 = vector.extract_strided_slice %add3A_65 {offsets = [1], sizes = [1], strides = [1]} : vector<16xi32> to vector<1xi32>
    %squeeze3A_67 = vector.extract %slice3A_66[0] : i32 from vector<1xi32>
    %add3A_68 = arith.addi %squeeze3A, %squeeze3A_67 : i32
    %slice3A_69 = vector.extract_strided_slice %add3A_65 {offsets = [2], sizes = [1], strides = [1]} : vector<16xi32> to vector<1xi32>
    %squeeze3A_70 = vector.extract %slice3A_69[0] : i32 from vector<1xi32>
    %add3A_71 = arith.addi %add3A_68, %squeeze3A_70 : i32
    %slice3A_72 = vector.extract_strided_slice %add3A_65 {offsets = [3], sizes = [1], strides = [1]} : vector<16xi32> to vector<1xi32>
    %squeeze3A_73 = vector.extract %slice3A_72[0] : i32 from vector<1xi32>
    %add3A_74 = arith.addi %add3A_71, %squeeze3A_73 : i32
    %slice3A_75 = vector.extract_strided_slice %add3A_65 {offsets = [4], sizes = [1], strides = [1]} : vector<16xi32> to vector<1xi32>
    %squeeze3A_76 = vector.extract %slice3A_75[0] : i32 from vector<1xi32>
    %add3A_77 = arith.addi %add3A_74, %squeeze3A_76 : i32
    %slice3A_78 = vector.extract_strided_slice %add3A_65 {offsets = [5], sizes = [1], strides = [1]} : vector<16xi32> to vector<1xi32>
    %squeeze3A_79 = vector.extract %slice3A_78[0] : i32 from vector<1xi32>
    %add3A_80 = arith.addi %add3A_77, %squeeze3A_79 : i32
    %slice3A_81 = vector.extract_strided_slice %add3A_65 {offsets = [6], sizes = [1], strides = [1]} : vector<16xi32> to vector<1xi32>
    %squeeze3A_82 = vector.extract %slice3A_81[0] : i32 from vector<1xi32>
    %add3A_83 = arith.addi %add3A_80, %squeeze3A_82 : i32
    %slice3A_84 = vector.extract_strided_slice %add3A_65 {offsets = [7], sizes = [1], strides = [1]} : vector<16xi32> to vector<1xi32>
    %squeeze3A_85 = vector.extract %slice3A_84[0] : i32 from vector<1xi32>
    %add3A_86 = arith.addi %add3A_83, %squeeze3A_85 : i32
    %slice3A_87 = vector.extract_strided_slice %add3A_65 {offsets = [8], sizes = [1], strides = [1]} : vector<16xi32> to vector<1xi32>
    %squeeze3A_88 = vector.extract %slice3A_87[0] : i32 from vector<1xi32>
    %add3A_89 = arith.addi %add3A_86, %squeeze3A_88 : i32
    %slice3A_90 = vector.extract_strided_slice %add3A_65 {offsets = [9], sizes = [1], strides = [1]} : vector<16xi32> to vector<1xi32>
    %squeeze3A_91 = vector.extract %slice3A_90[0] : i32 from vector<1xi32>
    %add3A_92 = arith.addi %add3A_89, %squeeze3A_91 : i32
    %slice3A_93 = vector.extract_strided_slice %add3A_65 {offsets = [10], sizes = [1], strides = [1]} : vector<16xi32> to vector<1xi32>
    %squeeze3A_94 = vector.extract %slice3A_93[0] : i32 from vector<1xi32>
    %add3A_95 = arith.addi %add3A_92, %squeeze3A_94 : i32
    %slice3A_96 = vector.extract_strided_slice %add3A_65 {offsets = [11], sizes = [1], strides = [1]} : vector<16xi32> to vector<1xi32>
    %squeeze3A_97 = vector.extract %slice3A_96[0] : i32 from vector<1xi32>
    %add3A_98 = arith.addi %add3A_95, %squeeze3A_97 : i32
    %slice3A_99 = vector.extract_strided_slice %add3A_65 {offsets = [12], sizes = [1], strides = [1]} : vector<16xi32> to vector<1xi32>
    %squeeze3A_100 = vector.extract %slice3A_99[0] : i32 from vector<1xi32>
    %add3A_101 = arith.addi %add3A_98, %squeeze3A_100 : i32
    %slice3A_102 = vector.extract_strided_slice %add3A_65 {offsets = [13], sizes = [1], strides = [1]} : vector<16xi32> to vector<1xi32>
    %squeeze3A_103 = vector.extract %slice3A_102[0] : i32 from vector<1xi32>
    %add3A_104 = arith.addi %add3A_101, %squeeze3A_103 : i32
    %slice3A_105 = vector.extract_strided_slice %add3A_65 {offsets = [14], sizes = [1], strides = [1]} : vector<16xi32> to vector<1xi32>
    %squeeze3A_106 = vector.extract %slice3A_105[0] : i32 from vector<1xi32>
    %add3A_107 = arith.addi %add3A_104, %squeeze3A_106 : i32
    %slice3A_108 = vector.extract_strided_slice %add3A_65 {offsets = [15], sizes = [1], strides = [1]} : vector<16xi32> to vector<1xi32>
    %squeeze3A_109 = vector.extract %slice3A_108[0] : i32 from vector<1xi32>
    %add3A_110 = arith.addi %add3A_107, %squeeze3A_109 : i32
    %mul3A = arith.constant 4096 : i32
    %mul3A_111 = arith.muli %arg1, %mul3A : i32
    %add3A_112 = arith.addi %mul3A_111, %add3A_110 : i32
    %sub3A = arith.constant 1 : i32
    %sub3A_113 = arith.subi %add3A_112, %sub3A : i32
    "tpu.region"() ({
      %run_scoped3A = tpu.sem_alloc : memref<!tpu.dma_semaphore, #tpu.memory_space<semaphore_mem>>
      %dma_start3A_114 = arith.constant 0 : i32
      %dma_start3A_115 = tpu.memref_slice %arg2[%sub3A_113, %dma_start3A_114] : memref<65536x1024xf32, #tpu.memory_space<hbm>> -> memref<1x1024xf32, #tpu.memory_space<hbm>>
      %dma_start3A_116 = arith.constant 0 : i32
      %dma_start3A_117 = tpu.memref_slice %arg2[%sub3A_113, %dma_start3A_116] : memref<65536x1024xf32, #tpu.memory_space<hbm>> -> memref<1x1024xf32, #tpu.memory_space<hbm>>
      tpu.enqueue_dma source(%dma_start3A_117 : memref<1x1024xf32, #tpu.memory_space<hbm>>) target(%arg6 : memref<1x1024xf32, #tpu.memory_space<vmem>>) target_semaphore(%run_scoped3A : memref<!tpu.dma_semaphore, #tpu.memory_space<semaphore_mem>>)
      %dma_wait3A_118 = arith.constant 0 : i32
      %dma_wait3A_119 = tpu.memref_slice %arg2[%sub3A_113, %dma_wait3A_118] : memref<65536x1024xf32, #tpu.memory_space<hbm>> -> memref<1x1024xf32, #tpu.memory_space<hbm>>
      %dma_wait3A_120 = arith.constant 0 : i32
      %dma_wait3A_121 = tpu.memref_slice %arg2[%sub3A_113, %dma_wait3A_120] : memref<65536x1024xf32, #tpu.memory_space<hbm>> -> memref<1x1024xf32, #tpu.memory_space<hbm>>
      tpu.wait_dma2 semaphore(%run_scoped3A : memref<!tpu.dma_semaphore, #tpu.memory_space<semaphore_mem>>) src(%dma_wait3A_121 : memref<1x1024xf32, #tpu.memory_space<hbm>>) dst(%arg6 : memref<1x1024xf32, #tpu.memory_space<vmem>>)
      tpu.yield
    }) : () -> ()
    "tpu.region"() ({
      %run_scoped3A = tpu.sem_alloc : memref<!tpu.dma_semaphore, #tpu.memory_space<semaphore_mem>>
      %dma_start3A_114 = arith.constant 0 : i32
      %dma_start3A_115 = tpu.memref_slice %arg4[%arg1, %dma_start3A_114] : memref<16x1024xf32, #tpu.memory_space<hbm>> -> memref<1x1024xf32, #tpu.memory_space<hbm>>
      %dma_start3A_116 = arith.constant 0 : i32
      %dma_start3A_117 = tpu.memref_slice %arg4[%arg1, %dma_start3A_116] : memref<16x1024xf32, #tpu.memory_space<hbm>> -> memref<1x1024xf32, #tpu.memory_space<hbm>>
      tpu.enqueue_dma source(%arg6 : memref<1x1024xf32, #tpu.memory_space<vmem>>) target(%dma_start3A_117 : memref<1x1024xf32, #tpu.memory_space<hbm>>) target_semaphore(%run_scoped3A : memref<!tpu.dma_semaphore, #tpu.memory_space<semaphore_mem>>)
      %dma_wait3A_118 = arith.constant 0 : i32
      %dma_wait3A_119 = tpu.memref_slice %arg4[%arg1, %dma_wait3A_118] : memref<16x1024xf32, #tpu.memory_space<hbm>> -> memref<1x1024xf32, #tpu.memory_space<hbm>>
      %dma_wait3A_120 = arith.constant 0 : i32
      %dma_wait3A_121 = tpu.memref_slice %arg4[%arg1, %dma_wait3A_120] : memref<16x1024xf32, #tpu.memory_space<hbm>> -> memref<1x1024xf32, #tpu.memory_space<hbm>>
      tpu.wait_dma2 semaphore(%run_scoped3A : memref<!tpu.dma_semaphore, #tpu.memory_space<semaphore_mem>>) src(%arg6 : memref<1x1024xf32, #tpu.memory_space<vmem>>) dst(%dma_wait3A_121 : memref<1x1024xf32, #tpu.memory_space<hbm>>)
      tpu.yield
    }) : () -> ()
    return
  }
}

</mosaic_0001>

<sc_bundles>
// kernel: kernel.3.cloned.1.call-start
scs
__scs_entry_jumppad:
0x0: {  	(pc) =	sbr.rel $0x88, $3  }
0x1: {  	(tag) =	ssettag $0x0;
	lr =	simm.s32 $0x1  }
0x2: {  	[smem:$0x3F9F] =	sst lr;
	_ =	strace $0xD0000000  }
0x3: {  	_ = 	snop  }
0x4: {  	_ = 	snop  }
0x5: {  	_ = 	snop  }
0x6: {  	_ = 	snop  }
0x7: {  	_ = 	snop  }
__scs_overlays_trampoline_lowered:
0x8: {  	[smem:$0x3FAE] =	sst s0  }
0x9: {  	[smem:$0x3FAF] =	sst s1  }
0xa: {  	[smem:$0x3FB0] =	sst s2  }
0xb: {  	[smem:$0x3FB1] =	sst s3  }
0xc: {  	[smem:$0x3FB2] =	sst s4  }
0xd: {  	[smem:$0x3FB3] =	sst s5  }
0xe: {  	[smem:$0x3FB4] =	sst s6  }
0xf: {  	[smem:$0x3FB5] =	sst s7  }
0x10: {  	[smem:$0x3FB6] =	sst s8  }
0x11: {  	[smem:$0x3FB7] =	sst s9;
	s0 =	simm.s32 @!p0 $0x0  }
0x12: {  	s1 =	sld [smem:$0x3F9D];
	s0 =	simm.s32 @p0 $0x1  }
0x13: {  	[smem:$0x3FB8] =	sst s0;
	s0 =	simm.s32 @!p1 $0x0  }
0x14: {  	s2 =	sld [smem:$0x3F9C];
	s0 =	simm.s32 @p1 $0x1  }
0x15: {  	[smem:$0x3FB9] =	sst s0;
	s0 =	simm.s32 @!p2 $0x0  }
0x16: {  	s3 =	sld [smem:$0x3FDB];
	s0 =	simm.s32 @p2 $0x1  }
0x17: {  	s4 =	simm.s32 $0x1BF5;
	[smem:$0x3FBB] =	sst s0  }
0x18: {  	s0 =	sld [smem:$0x3F9E];
	_ =	swait.ge [sflag:s4], $0x0  }
0x19: {  	s7 =	sld [smem:$0x3F9F]  }
0x1a: {  	s8 =	sadd.s32 $0xFFFFE003, lr  }
0x1b: {  	s9 =	sadd.s32 $0xFFFFFEF7, lr;
	s5 =	simm.s32 $0xFFFFFFFF;
	p2 =	slt.u32 s8, $0xFFFFF086  }
0x1c: {  	p1 =	slt.u32 s9, $0xF7A;
	s5 =	simm.s32 @!p2 $0x0  }
0x1d: {  	s5 =	simm.s32 @p1 $0x1;
	p0 =	seq.s32 s7, s2  }
0x1e: {  	s7 =	smul.u32 @!p0 $0xF7A, s2;
	p2 =	seq.s32 @!p0 s5, $0x0  }
0x1f: {  	s9 =	smul.u32 $0xF7A, s1;
	s8 =	simm.s32 @!p0 $0x1BF5;
	p2 =	por !p2, p0  }
0x20: {  	[sflag:s8] =	ssyncset.s32 @!p0 $0xFFFFF086;
	s6 =	sadd.s32 @!p0 s3, s7;
	s7 =	simm.s32 @!p0 $0x108  }
0x21: {  	s3 =	sadd.s32 s3, s9;
	s6 =	sadd.s32 @!p0 $0x88, s6;
	s7 =	simm.s32 @p2 $0x1082  }
0x22: {  	[simem:s7], [sflag:s8] =	dma.local @!p0 [hbm:s6], $0xF7A  }
0x23: {  	s9 =	sor.u32 $0xD0000000, s2;
	s6 =	simm.s32 $0x108;
	_ =	swait.ge @!p0 [sflag:s8], $0x0  }
0x24: {  	s3 =	sadd.s32 $0x88, s3;
	s6 =	simm.s32 @!p1 $0x1082;
	[sflag:s4] =	ssyncset.s32 $0xFFFFF086  }
0x25: {  	[simem:s6], [sflag:s4] =	dma.local [hbm:s3], $0xF7A  }
0x26: {  	[smem:$0x3F9F] =	sst s1;
	(tag) =	ssettag s2;
	_ =	strace s9  }
0x27: {  	s1 =	sld [smem:$0x3FAF]  }
0x28: {  	s2 =	sld [smem:$0x3FB0]  }
0x29: {  	s4 =	sld [smem:$0x3FB2]  }
0x2a: {  	p0 =	seq.s32 s5, $0x0;
	s5 =	sld [smem:$0x3FB3]  }
0x2b: {  	s6 =	sld [smem:$0x3FB4]  }
0x2c: {  	s7 =	sld [smem:$0x3FB5]  }
0x2d: {  	s3 =	simm.s32 $0x108;
	s8 =	sld [smem:$0x3FB6]  }
0x2e: {  	s3 =	simm.s32 @!p0 $0x1082;
	s9 =	sld [smem:$0x3FB7]  }
0x2f: {  	lr =	sadd.s32 s0, s3;
	s0 =	sld [smem:$0x3FAE]  }
0x30: {  	s3 =	sld [smem:$0x3FB1]  }
0x31: {  	[smem:$0x3FBA] =	sst s10  }
0x32: {  	s10 =	sld [smem:$0x3FB8];
	_ =	sdelay $0x3  }
0x33: {  	p0 =	seq.s32 s10, $0x1;
	s10 =	sld [smem:$0x3FBA];
	_ =	sdelay $0x3  }
0x34: {  	[smem:$0x3FBA] =	sst s10  }
0x35: {  	s10 =	sld [smem:$0x3FB9];
	_ =	sdelay $0x3  }
0x36: {  	p1 =	seq.s32 s10, $0x1;
	s10 =	sld [smem:$0x3FBA];
	_ =	sdelay $0x3  }
0x37: {  	[smem:$0x3FBA] =	sst s10  }
0x38: {  	s10 =	sld [smem:$0x3FBB]  }
0x39: {  	_ = 	snop;
	(pc) =	sbr.ind lr, $3  }
0x3a: {  	_ = 	snop  }
0x3b: {  	_ = 	snop  }
0x3c: {  	p2 =	seq.s32 s10, $0x1;
	s10 =	sld [smem:$0x3FBA]  }
0x3d: {  	_ =	shalt  }
0x3e: {  	_ =	shalt  }
0x3f: {  	_ =	shalt  }
0x40: {  	_ =	shalt  }
0x41: {  	_ =	shalt  }
0x42: {  	_ =	shalt  }
0x43: {  	_ =	shalt  }
0x44: {  	_ =	shalt  }
0x45: {  	_ =	shalt  }
0x46: {  	_ =	shalt  }
0x47: {  	_ =	shalt  }
0x48: {  	_ =	shalt  }
0x49: {  	_ =	shalt  }
0x4a: {  	_ =	shalt  }
0x4b: {  	_ =	shalt  }
0x4c: {  	_ =	shalt  }
0x4d: {  	_ =	shalt  }
0x4e: {  	_ =	shalt  }
0x4f: {  	_ =	shalt  }
0x50: {  	_ =	shalt  }
0x51: {  	_ =	shalt  }
0x52: {  	_ =	shalt  }
0x53: {  	_ =	shalt  }
0x54: {  	_ =	shalt  }
0x55: {  	_ =	shalt  }
0x56: {  	_ =	shalt  }
0x57: {  	_ =	shalt  }
0x58: {  	_ =	shalt  }
0x59: {  	_ =	shalt  }
0x5a: {  	_ =	shalt  }
0x5b: {  	_ =	shalt  }
0x5c: {  	_ =	shalt  }
0x5d: {  	_ =	shalt  }
0x5e: {  	_ =	shalt  }
0x5f: {  	_ =	shalt  }
0x60: {  	_ =	shalt  }
0x61: {  	_ =	shalt  }
0x62: {  	_ =	shalt  }
0x63: {  	_ =	shalt  }
0x64: {  	_ =	shalt  }
0x65: {  	_ =	shalt  }
0x66: {  	_ =	shalt  }
0x67: {  	_ =	shalt  }
0x68: {  	_ =	shalt  }
0x69: {  	_ =	shalt  }
0x6a: {  	_ =	shalt  }
0x6b: {  	_ =	shalt  }
0x6c: {  	_ =	shalt  }
0x6d: {  	_ =	shalt  }
0x6e: {  	_ =	shalt  }
0x6f: {  	_ =	shalt  }
0x70: {  	_ =	shalt  }
0x71: {  	_ =	shalt  }
0x72: {  	_ =	shalt  }
0x73: {  	_ =	shalt  }
0x74: {  	_ =	shalt  }
0x75: {  	_ =	shalt  }
0x76: {  	_ =	shalt  }
0x77: {  	_ =	shalt  }
0x78: {  	_ =	shalt  }
0x79: {  	_ =	shalt  }
0x7a: {  	_ =	shalt  }
0x7b: {  	_ =	shalt  }
0x7c: {  	_ =	shalt  }
0x7d: {  	_ =	shalt  }
0x7e: {  	_ =	shalt  }
0x7f: {  	_ =	shalt  }
0x80: {  	_ =	shalt  }
0x81: {  	_ =	shalt  }
0x82: {  	_ =	shalt  }
0x83: {  	_ =	shalt  }
0x84: {  	_ =	shalt  }
0x85: {  	_ =	shalt  }
0x86: {  	_ =	shalt  }
0x87: {  	_ =	shalt  }
.Lfunc_end0:
.L_simem_size_0:
called_computation_lowered:
.L_overlay_start_0:
0x88: {  	s0 =	sld [smem:$0x3FD9]  }
0x89: {  	s1 =	sld [smem:$0x3FFE];
	_ =	sdelay $0x3  }
0x8a: {  	s0 =	sadd.s32 s1, s0  }
0x8b: {  	[smem:$0x3FC6] =	sst s0  }
0x8c: {  	_ = 	snop  }
0x8d: {  	s0 =	sld [smem:$0x3FC9]  }
0x8e: {  	s17 =	sld [smem:$0x3FC8]  }
0x8f: {  	s2 =	sld [smem:$0x3FD0];
	(tm) =	ssettm $0x1  }
0x90: {  	s3 =	sld [smem:$0x3FFB];
	_ =	sdelay $0x3  }
0x91: {  	_ =	strace s3  }
0x92: {  	s3 =	sld [smem:$0x3FFC];
	_ =	sdelay $0x3  }
0x93: {  	_ =	strace s3  }
0x94: {  	s3 =	sld [smem:$0x3FFD];
	_ =	sdelay $0x3  }
0x95: {  	_ =	strace s3  }
0x96: {  	_ =	strace $0x8FFFFFFF  }
0x97: {  	s18 =	sld [smem:$0x3FDB];
	_ =	sdelay $0x1  }
0x98: {  	s4 =	simm.s32 $_scs_section_size  }
0x99: {  	s5 =	simm.s32 $_size__tile_overlayer_lowered;
	s6 =	simm.s32 $_tile_overlayer_lowered  }
0x9a: {  	s21 =	simm.s32 $0x1BFF;
	s20 =	sshll.u32 s6, $0x1;
	s3 =	sadd.s32 s4, s18  }
0x9b: {  	s7 =	simm.s32 $0x0;
	s19 =	sshll.u32 s5, $0x1;
	s5 =	sadd.s32 s20, s3  }
0x9c: {  	[timem:s7], [sflag:s21] =	dma.local [hbm:s5], s19  }
0x9d: {  	_ =	swait.ge [sflag:s21], s19  }
0x9e: {  	s4 =	ssub.s32 $0x0, s19;
	[sflag:s21] =	ssyncset.done $0x0  }
0x9f: {  	[sflag:s21] =	ssyncadd.s32 s4;
	_ =	sdelay $0x1  }
0xa0: {  	s22 =	simm.s32 $0x1B8B  }
0xa1: {  	_ =	swait.ge [sflag:s22], $0x1  }
0xa2: {  	[sflag:s22] =	ssyncset.done $0x0  }
0xa3: {  	s23 =	simm.s32 $0x1B8E;
	[sflag:s22] =	ssyncadd.s32 $0xFFFFFFFF  }
0xa4: {  	s24 =	simm.s32 $execute0_lowered;
	[smem:$0x3FD2] =	sst s23  }
0xa5: {  	s4 =	sshll.u32 s24, $0x1;
	_ =	strace $0x80000046;
	[dreg:$0x1] =	wrdreg $0xFFFFFFFF  }
0xa6: {  	s25 =	simm.s32 $_size_execute0_lowered;
	s3 =	sadd.s32 s3, s4;
	[dreg:$0x0] =	wrdreg $0x0  }
0xa7: {  	s4 =	sshll.u32 s25, $0x1;
	[dreg:$0x2] =	wrdreg s3  }
0xa8: {  	[dreg:$0x3] =	wrdreg s4  }
0xa9: {  	[dreg:$0x4] =	wrdreg $0xC0  }
0xaa: {  	_ =	task [dreg:s7], $0x5FFFF  }
0xab: {  	[dreg:$0x1] =	wrdreg $0xFFFFFFFF  }
0xac: {  	[dreg:$0x0] =	wrdreg $0x60  }
0xad: {  	[dreg:$0x2] =	wrdreg s0  }
0xae: {  	[dreg:$0x3] =	wrdreg s17  }
0xaf: {  	[dreg:$0x4] =	wrdreg s2  }
0xb0: {  	[dreg:$0x5] =	wrdreg $0x9  }
0xb1: {  	_ =	task.clear_ibuf [dreg:s7], $0x6FFFF;
	_ =	strace $0x90000046  }
0xb2: {  	s26 =	simm.s32 $0x9;
	_ =	strace $0x80000048  }
0xb3: {  	_ =	swait.ge [sflag:s26], $0x1  }
0xb4: {  	[sflag:s26] =	ssyncadd.s32 $0xFFFFFFFF  }
0xb5: {  	_ =	strace $0x90000048  }
0xb6: {  	_ =	sfence  }
0xb7: {  	s28 =	sld [smem:$0x0];
	_ =	sdelay $0x1  }
0xb8: {  	s29 =	srdreg.scid  }
0xb9: {  	s30 =	sshll.u32 s29, $0xD;
	s31 =	sshrl.u32 s29, $0x2  }
0xba: {  	s1 =	sand.u32 $0x1, s29;
	s2 =	sand.u32 $0x4000, s30;
	s0 =	sadd.s32 s31, s28  }
0xbb: {  	s1 =	sor.u32 s2, s1;
	s0 =	sshll.u32 s0, $0x11  }
0xbc: {  	s0 =	sor.u32 s0, s1  }
0xbd: {  	s0 =	sadd.s32 $0x8F2B, s0  }
0xbe: {  	[sflag:s0] =	ssyncadd.remote.s32 $0x1  }
0xbf: {  	_ =	sfence.sel $0xFFFF  }
0xc0: {  	[dreg:$0x0] =	wrdreg $0xFFFFFFFF;
	(pc) =	sbr.abs _section_cstart, $3  }
0xc1: {  	[dreg:$0x1] =	wrdreg $0xFFFFFFFF  }
0xc2: {  	_ =	task.clear_ibuf [dreg:s7], $0x2FFFF;
	_ =	strace $0x9FFFFFFF  }
0xc3: {  	(tm) =	ssettm $0x7FFFFFFF  }
tec
execute0_lowered:
.L_overlay_start_1:
0x0: {  	(tag) =	ssettag $0x1  }
0x1: {  	s3 =	rddreg [dreg:$0x0];
	s1 =	stileid.u32  }
0x2: {  	s6 =	rddreg [dreg:$0x1];
	s4 =	sshrl.u32 s1, $0x3;
	s5 =	sshll.u32 s1, $0x7  }
0x3: {  	s2 =	rddreg [dreg:$0x2];
	s5 =	sand.u32 $0x380, s5;
	s8 =	sshll.u32 s4, $0xF  }
0x4: {  	s0 =	rddreg [dreg:$0x3];
	s7 =	simm.s32 $0x0;
	s8 =	sor.u32 s5, s8  }
0x5: {  	s28 =	simm.s32 $0x80;
	[smem:$0x7FF] =	sst s7;
	s8 =	sshrl.u32 s8, $0x3  }
0x6: {  	s9 =	simm.s32 $0x400;
	_ =	strace $0x80000047;
	s6 =	sadd.s32 s6, s8  }
0x7: {  	[tilespmem:s7], [sflag:$0x1] =	stream.strided.gather [hbm4b:s6+s28], $0x800, s9, s28, $0x38;
	[tilespmem:$0x1400] =	vst v63  }
0x8: {  	s29 =	simm.s32 $0x800;
	s30 =	simm.s32 $0x1;
	s6 =	sadd.s32 $0x800, s6  }
0x9: {  	[tilespmem:s29], [sflag:$0x2] =	stream.strided.gather [hbm4b:s6+s28], $0x800, s9, s28, $0x38;
	[tilespmem:$0x1400] =	vst v63  }
0xa: {  	_ =	swait.ge [sflag:s30], $0x800  }
0xb: {  	[sflag:s30] =	ssyncset.done $0x0  }
0xc: {  	s31 =	simm.s32 $0x0;
	[sflag:s30] =	ssyncadd.s32 $0xFFFFF800  }
0xd: {  	v0 =	vld [tilespmem:s31+$0x70]  }
0xe: {  	v1 =	vld [tilespmem:s31+$0x0]  }
0xf: {  	v2 =	vld [tilespmem:s31+$0x10]  }
0x10: {  	v5 =	vld [tilespmem:s31+$0x20]  }
0x11: {  	v6 =	vld [tilespmem:s31+$0x30]  }
0x12: {  	v3 =	vimm.s32 $0x0;
	v4 =	vimm.s32 $0x0;
	v7 =	vld [tilespmem:s31+$0x40]  }
0x13: {  	v9 =	vimm.s32 $0x0;
	v10 =	vimm.s32 $0x0;
	v8 =	vimm.s32 $0x0;
	v11 =	vld [tilespmem:s31+$0x50]  }
0x14: {  	s7 =	simm.s32 $0x400;
	s6 =	simm.s32 $0x80;
	v12 =	vld [tilespmem:s31+$0x60];
	v0 =	vadd.s32 v3, v0;
	v1 =	vadd.s32 v3, v1;
	v2 =	vadd.s32 v3, v2  }
.LBB2_1:
0x15: {  	p0 =	sne.s32 s7, $0x1E00;
	v13 =	vld [tilespmem:s6+$0x70];
	v3 =	vadd.s32 v3, v5  }
0x16: {  	v14 =	vld [tilespmem:s6+$0x0];
	v4 =	vadd.s32 v4, v6  }
0x17: {  	v15 =	vld [tilespmem:s6+$0x10];
	v9 =	vadd.s32 v9, v7  }
.Ltmp0:
0x18: {  	v5 =	vld [tilespmem:s6+$0x20];
	v10 =	vadd.s32 v10, v11;
	(pc) =	sbr.rel @p0 .LBB2_1-.Ltmp0, $4  }
0x19: {  	v6 =	vld [tilespmem:s6+$0x30];
	v8 =	vadd.s32 v8, v12  }
0x1a: {  	v7 =	vld [tilespmem:s6+$0x40];
	v0 =	vadd.s32 v0, v13  }
0x1b: {  	v1 =	vadd.s32 v1, v14;
	v11 =	vld [tilespmem:s6+$0x50]  }
0x1c: {  	v2 =	vadd.s32 v2, v15;
	v12 =	vld [tilespmem:s6+$0x60];
	s6 =	sshra.s32 s7, $0x2;
	s7 =	sadd.s32 $0x200, s7  }
0x1d: {  	v13 =	vld [tilespmem:s6+$0x70]  }
0x1e: {  	v14 =	vld [tilespmem:s6+$0x0]  }
0x1f: {  	v15 =	vld [tilespmem:s6+$0x10]  }
0x20: {  	v16 =	vld [tilespmem:s6+$0x20]  }
0x21: {  	v17 =	vld [tilespmem:s6+$0x30]  }
0x22: {  	v18 =	vld [tilespmem:s6+$0x40]  }
0x23: {  	v19 =	vld [tilespmem:s6+$0x50];
	s31 =	simm.s32 $0x2  }
0x24: {  	v20 =	vld [tilespmem:s6+$0x60];
	_ =	swait.ge [sflag:s31], $0x800  }
0x25: {  	[sflag:s31] =	ssyncset.done $0x0  }
0x26: {  	s8 =	simm.s32 $0x0;
	[sflag:s31] =	ssyncadd.s32 $0xFFFFF800  }
0x27: {  	v21 =	vld [tilespmem:s8+$0x870]  }
0x28: {  	v22 =	vld [tilespmem:s8+$0x800]  }
0x29: {  	v3 =	vadd.s32 v3, v5;
	v23 =	vld [tilespmem:s8+$0x810]  }
0x2a: {  	v4 =	vadd.s32 v4, v6;
	v9 =	vadd.s32 v9, v7;
	v10 =	vadd.s32 v10, v11;
	v6 =	vld [tilespmem:s8+$0x820]  }
0x2b: {  	v11 =	vadd.s32 v8, v12;
	v7 =	vld [tilespmem:s8+$0x830];
	v0 =	vadd.s32 v0, v13;
	v12 =	vadd.s32 v1, v14  }
0x2c: {  	v8 =	vld [tilespmem:s8+$0x840];
	v13 =	vadd.s32 v2, v15;
	v5 =	vadd.s32 v3, v16;
	v4 =	vadd.s32 v4, v17  }
0x2d: {  	v3 =	vadd.s32 v9, v18;
	v2 =	vadd.s32 v10, v19;
	v1 =	vadd.s32 v11, v20;
	v9 =	vld [tilespmem:s8+$0x850]  }
0x2e: {  	s6 =	simm.s32 $0x80;
	s7 =	simm.s32 $0x400;
	v10 =	vld [tilespmem:s8+$0x860];
	v0 =	vadd.s32 v0, v21;
	v11 =	vadd.s32 v12, v22;
	v12 =	vadd.s32 v13, v23  }
.LBB2_3:
0x2f: {  	p0 =	sne.s32 s7, $0x1E00;
	v13 =	vld [tilespmem:s6+$0x870];
	v5 =	vadd.s32 v5, v6  }
0x30: {  	v14 =	vld [tilespmem:s6+$0x800];
	v4 =	vadd.s32 v4, v7  }
0x31: {  	v15 =	vld [tilespmem:s6+$0x810];
	v3 =	vadd.s32 v3, v8  }
.Ltmp1:
0x32: {  	v6 =	vld [tilespmem:s6+$0x820];
	v2 =	vadd.s32 v2, v9;
	(pc) =	sbr.rel @p0 .LBB2_3-.Ltmp1, $4  }
0x33: {  	v7 =	vld [tilespmem:s6+$0x830];
	v1 =	vadd.s32 v1, v10  }
0x34: {  	v8 =	vld [tilespmem:s6+$0x840];
	v0 =	vadd.s32 v0, v13  }
0x35: {  	v11 =	vadd.s32 v11, v14;
	v9 =	vld [tilespmem:s6+$0x850]  }
0x36: {  	v12 =	vadd.s32 v12, v15;
	v10 =	vld [tilespmem:s6+$0x860];
	s6 =	sshra.s32 s7, $0x2;
	s7 =	sadd.s32 $0x200, s7  }
0x37: {  	v13 =	vld [tilespmem:s6+$0x800]  }
0x38: {  	v14 =	vld [tilespmem:s6+$0x810]  }
0x39: {  	v15 =	vld [tilespmem:s6+$0x820]  }
0x3a: {  	v16 =	vld [tilespmem:s6+$0x830]  }
0x3b: {  	v17 =	vld [tilespmem:s6+$0x840]  }
0x3c: {  	v18 =	vld [tilespmem:s6+$0x850]  }
0x3d: {  	v5 =	vadd.s32 v5, v6;
	v62 =	vld [tilespmem:s6+$0x860];
	v60 =	vadd.s32 v11, v13;
	v61 =	vadd.s32 v12, v14  }
0x3e: {  	v63 =	vld [tilespmem:s6+$0x870];
	v4 =	vadd.s32 v4, v7;
	v5 =	vadd.s32 v5, v15;
	v6 =	vadd.s32 v60, v61  }
0x3f: {  	v3 =	vadd.s32 v3, v8;
	v4 =	vadd.s32 v4, v16;
	v5 =	vadd.s32 v5, v6  }
0x40: {  	v2 =	vadd.s32 v2, v9;
	v3 =	vadd.s32 v3, v17;
	v4 =	vadd.s32 v4, v5  }
0x41: {  	v1 =	vadd.s32 v1, v10;
	v2 =	vadd.s32 v2, v18;
	v3 =	vadd.s32 v3, v4  }
0x42: {  	v1 =	vadd.s32 v1, v62;
	v2 =	vadd.s32 v2, v3  }
0x43: {  	v0 =	vadd.s32 v0, v63;
	v1 =	vadd.s32 v1, v2  }
0x44: {  	v0 =	vadd.s32 v0, v1  }
0x45: {  	(v2sf) =	vpush v0, $0x1  }
0x46: {  	(v2sf) =	vpush v0, $0x0  }
0x47: {  	(v2sf) =	vpush v0, $0x2  }
0x48: {  	(v2sf) =	vpush v0, $0x3  }
0x49: {  	(v2sf) =	vpush v0, $0x4  }
0x4a: {  	(v2sf) =	vpush v0, $0x5  }
0x4b: {  	(v2sf) =	vpush v0, $0x6  }
0x4c: {  	(v2sf) =	vpush v0, $0x7  }
0x4d: {  	(v2sf) =	vpush v0, $0x8  }
0x4e: {  	(v2sf) =	vpush v0, $0x9  }
0x4f: {  	(v2sf) =	vpush v0, $0xA  }
0x50: {  	(v2sf) =	vpush v0, $0xB  }
0x51: {  	(v2sf) =	vpush v0, $0xC  }
0x52: {  	(v2sf) =	vpush v0, $0xD  }
0x53: {  	(v2sf) =	vpush v0, $0xE  }
0x54: {  	s10 =	sshll.u32 s1, $0xC;
	s7 =	spop (v2sf);
	(v2sf) =	vpush v0, $0xF  }
0x55: {  	s8 =	spop (v2sf);
	s6 =	sadd.s32 s7, s10  }
0x56: {  	s11 =	spop (v2sf);
	s6 =	sadd.s32 s8, s6  }
0x57: {  	s12 =	spop (v2sf);
	s6 =	sadd.s32 s11, s6  }
0x58: {  	s13 =	spop (v2sf);
	s6 =	sadd.s32 s12, s6  }
0x59: {  	s14 =	spop (v2sf);
	s6 =	sadd.s32 s13, s6  }
0x5a: {  	s15 =	spop (v2sf);
	s6 =	sadd.s32 s14, s6  }
0x5b: {  	s16 =	spop (v2sf);
	s6 =	sadd.s32 s15, s6  }
0x5c: {  	s17 =	spop (v2sf);
	s6 =	sadd.s32 s16, s6  }
0x5d: {  	s18 =	spop (v2sf);
	s6 =	sadd.s32 s17, s6  }
0x5e: {  	s19 =	spop (v2sf);
	s6 =	sadd.s32 s18, s6  }
0x5f: {  	s20 =	spop (v2sf);
	s6 =	sadd.s32 s19, s6  }
0x60: {  	s21 =	spop (v2sf);
	s6 =	sadd.s32 s20, s6  }
0x61: {  	s22 =	spop (v2sf);
	s6 =	sadd.s32 s21, s6  }
0x62: {  	s23 =	spop (v2sf);
	s6 =	sadd.s32 s22, s6  }
0x63: {  	s24 =	spop (v2sf);
	s6 =	sadd.s32 s23, s6  }
0x64: {  	s6 =	sadd.s32 s24, s6  }
0x65: {  	s6 =	sadd.s32 $0xFFFFFFFF, s6  }
0x66: {  	s25 =	sshll.u32 s6, $0xA;
	s6 =	sshll.u32 s6, $0x7  }
0x67: {  	s7 =	sand.u32 $0xFFFFE000, s25;
	s6 =	sand.u32 $0x380, s6  }
0x68: {  	s26 =	simm.s32 $0x80;
	s6 =	sor.u32 s6, s7  }
0x69: {  	s28 =	simm.s32 $0x400;
	s29 =	simm.s32 $0x1000;
	s6 =	sshrl.u32 s6, $0x3  }
0x6a: {  	s30 =	sshll.u32 s4, $0xD;
	s31 =	simm.s32 $0x3;
	s3 =	sadd.s32 s3, s6  }
0x6b: {  	[tilespmem:s29], [sflag:$0x3] =	stream.strided.gather [hbm4b:s3+s26], $0x400, s28, s26, $0x38;
	[tilespmem:$0x1400] =	vst v63  }
0x6c: {  	s3 =	sor.u32 s5, s30;
	_ =	swait.ge [sflag:s31], $0x400  }
0x6d: {  	s3 =	sshrl.u32 s3, $0x3;
	[sflag:s31] =	ssyncset.done $0x0  }
0x6e: {  	s2 =	sadd.s32 s2, s3;
	[sflag:s31] =	ssyncadd.s32 $0xFFFFFC00  }
0x6f: {  	[hbm4b:s2+s26] =	stream.strided.scatter [tilespmem:s29], [sflag:$0x3], $0x400, s28, s26, $0x38;
	[tilespmem:$0x1400] =	vst v63  }
0x70: {  	_ =	swait.ge [sflag:s31], $0x400  }
0x71: {  	[sflag:s31] =	ssyncset.done $0x0  }
0x72: {  	[sflag:s31] =	ssyncadd.s32 $0xFFFFFC00  }
0x73: {  	_ =	sfence.sel $0x180000  }
0x74: {  	[bflag:$0x0] =	sbarrier.arrive $0xFFFF  }
0x75: {  	p0 =	sne.s32 s1, $0x0;
	_ =	strace $0x90000047  }
0x76: {  	s0 =	sadd.s32 @!p0 $0x100000, s0;
	[bflag:$0x2] =	sbarrier.arrive $0xFFFF  }
0x77: {  	[sflag:s0] =	ssyncadd.tile.s32 @!p0 $0x1;
	_ =	shalt  }
.Lfunc_end2:
_tile_overlayer_lowered:
.L_overlay_start_2:
0x78: {  	(tag) =	ssettag $0x2  }
0x79: {  	s0 =	rddreg [dreg:$0x0];
	s2 =	stileid.u32  }
0x7a: {  	s1 =	rddreg [dreg:$0x1];
	p0 =	sne.s32 s2, $0x0  }
0x7b: {  	s3 =	rddreg [dreg:$0x2];
	[bflag:$0x3] =	sbarrier.arrive $0xFFFF;
	s2 =	simm.s32 @!p0 $0x1C03  }
0x7c: {  	[timem:s3], [sflag:s2] =	dma.local @!p0 [hbm:s0], s1  }
0x7d: {  	s0 =	simm.s32 @!p0 $0x3  }
0x7e: {  	_ =	swait.ge @!p0 [sflag:s0], s1  }
0x7f: {  	s1 =	ssub.s32 @!p0 $0x0, s1;
	[sflag:s0] =	ssyncset.done @!p0 $0x0  }
0x80: {  	[sflag:s0] =	ssyncadd.s32 @!p0 s1  }
0x81: {  	[bflag:$0x3] =	sbarrier.arrive $0xFFFF  }
0x82: {  	_ =	shalt  }

</sc_bundles>
